<compile_context>
chip_gen: v7x
topology: tpu7x:2x2x1
jax: 0.10.2.dev20260603
libtpu: 0.0.44.dev20260713+nightly
codegen_flags: <defaults>
</compile_context>

<pallas_src>
import functools

import jax
import jax.numpy as jnp
from jax import lax
from jax.experimental import pallas as pl
from jax.experimental.pallas import tpu as pltpu
from jax.experimental.pallas import tpu_sc as plsc

_NUM_CORES = 2
_NUM_SUBCORES = 16
_NUM_WORKERS = _NUM_CORES * _NUM_SUBCORES
_CHUNK_ROWS = 16
_NUM_BUFS = 7


def _make_copy(seq_len: int, d: int, dtype):
    rows_per_w = seq_len // _NUM_WORKERS
    n_chunks = rows_per_w // _CHUNK_ROWS
    n_bufs = min(_NUM_BUFS, n_chunks)
    mesh = plsc.VectorSubcoreMesh(
        core_axis_name="c",
        subcore_axis_name="s",
        num_cores=_NUM_CORES,
        num_subcores=_NUM_SUBCORES,
    )

    @functools.partial(
        pl.kernel,
        out_type=jax.ShapeDtypeStruct((seq_len, d), dtype),
        mesh=mesh,
        scratch_types=(
            [pltpu.VMEM((_CHUNK_ROWS, d), dtype)] * n_bufs
            + [pltpu.SemaphoreType.DMA] * (2 * n_bufs)
        ),
    )
    def copy_rows(table_hbm, out_hbm, *rest):
        bufs = rest[:n_bufs]
        gsems = rest[n_bufs : 2 * n_bufs]
        ssems = rest[2 * n_bufs :]
        wid = lax.axis_index("s") * _NUM_CORES + lax.axis_index("c")
        base = wid * rows_per_w

        def row_slice(ref, j):
            return ref.at[pl.ds(base + j * _CHUNK_ROWS, _CHUNK_ROWS)]

        gathers = []
        for j in range(n_bufs):
            g = pltpu.make_async_copy(row_slice(table_hbm, j), bufs[j], gsems[j])
            g.start()
            gathers.append(g)
        scatters = []
        for j in range(n_chunks):
            b = j % n_bufs
            if j >= n_bufs:
                scatters[j - n_bufs].wait()
                g = pltpu.make_async_copy(row_slice(table_hbm, j), bufs[b], gsems[b])
                g.start()
                gathers.append(g)
            gathers[j].wait()
            sc = pltpu.make_async_copy(bufs[b], row_slice(out_hbm, j), ssems[b])
            sc.start()
            scatters.append(sc)
        for j in range(max(0, n_chunks - n_bufs), n_chunks):
            scatters[j].wait()

    return copy_rows


def kernel(x, pos_emb):
    seq_len = x.shape[1]
    d = pos_emb.shape[1]
    return _make_copy(seq_len, d, pos_emb.dtype)(pos_emb)

# --- scband reference (transcript-rebuilt; emitter-appended) ---
"""Pipeline reference for scband-non-trainable-position-embedding-25348896980997 (READ-ONLY COPY).

The authoritative reference and input builder live on the scoring server;
editing this copy changes nothing except your own understanding.
"""

import jax, jax.numpy as jnp
import numpy as np


def _positional_encoding(position, d_model):
    pos = np.arange(position)[:, None].astype(np.float32)
    i = np.arange(d_model)[None, :].astype(np.float32)
    angle_rates = 1.0 / np.power(10000.0, 2.0 * (i // 2) / np.float32(d_model))
    angle_rads = pos * angle_rates
    angle_rads[:, 0::2] = np.sin(angle_rads[:, 0::2])
    angle_rads[:, 1::2] = np.cos(angle_rads[:, 1::2])
    return jnp.asarray(angle_rads, dtype=jnp.float32)


def setup_inputs(seed: int = 0) -> dict:
    key = jax.random.key(seed)
    x = jax.random.normal(key, (4, 4096, 1024), dtype=jnp.float32)
    # Non-trainable sinusoidal table, sized per init_kwargs (maxlen=8192, embed_dim=1024).
    pos_emb = _positional_encoding(8192, 1024)
    return {"x": x, "pos_emb": pos_emb}


def reference(x, pos_emb):
    # Faithful translation of call(): gather rows [0, seq_len) from the
    # precomputed sinusoidal table. Output depends only on x's seq dim.
    maxlen = x.shape[1]
    positions = jnp.arange(maxlen)
    position_embeddings = jnp.take(pos_emb, positions, axis=0)
    return position_embeddings

if __name__ == "__main__":
    import jax
    _d = setup_inputs()
    print(jax.jit(kernel)(*tuple(_d.values())))

</pallas_src>

<mosaic_0001>
#map = affine_map<(d0, d1) -> (0, 0)>
module attributes {stable_mosaic.version = 14 : i64} {
  func.func @copy_rows(%arg0: i32, %arg1: i32, %arg2: memref<8192x1024xf32, #tpu.memory_space<hbm>>, %arg3: memref<4096x1024xf32, #tpu.memory_space<hbm>>, %arg4: memref<16x1024xf32, #tpu.memory_space<vmem>>, %arg5: memref<16x1024xf32, #tpu.memory_space<vmem>>, %arg6: memref<16x1024xf32, #tpu.memory_space<vmem>>, %arg7: memref<16x1024xf32, #tpu.memory_space<vmem>>, %arg8: memref<16x1024xf32, #tpu.memory_space<vmem>>, %arg9: memref<16x1024xf32, #tpu.memory_space<vmem>>, %arg10: memref<16x1024xf32, #tpu.memory_space<vmem>>, %arg11: memref<!tpu.dma_semaphore, #tpu.memory_space<semaphore_mem>>, %arg12: memref<!tpu.dma_semaphore, #tpu.memory_space<semaphore_mem>>, %arg13: memref<!tpu.dma_semaphore, #tpu.memory_space<semaphore_mem>>, %arg14: memref<!tpu.dma_semaphore, #tpu.memory_space<semaphore_mem>>, %arg15: memref<!tpu.dma_semaphore, #tpu.memory_space<semaphore_mem>>, %arg16: memref<!tpu.dma_semaphore, #tpu.memory_space<semaphore_mem>>, %arg17: memref<!tpu.dma_semaphore, #tpu.memory_space<semaphore_mem>>, %arg18: memref<!tpu.dma_semaphore, #tpu.memory_space<semaphore_mem>>, %arg19: memref<!tpu.dma_semaphore, #tpu.memory_space<semaphore_mem>>, %arg20: memref<!tpu.dma_semaphore, #tpu.memory_space<semaphore_mem>>, %arg21: memref<!tpu.dma_semaphore, #tpu.memory_space<semaphore_mem>>, %arg22: memref<!tpu.dma_semaphore, #tpu.memory_space<semaphore_mem>>, %arg23: memref<!tpu.dma_semaphore, #tpu.memory_space<semaphore_mem>>, %arg24: memref<!tpu.dma_semaphore, #tpu.memory_space<semaphore_mem>>) attributes {dimension_semantics = [#tpu.dimension_semantics<core_parallel>, #tpu.dimension_semantics<subcore_parallel>], iteration_bounds = array<i64: 2, 16>, scalar_prefetch = 0 : i64, scratch_operands = 21 : i64, tpu.core_type = #tpu.core_type<sc_vector_subcore>, window_params = [{transform_indices = #map}, {transform_indices = #map}]} {
    %mul3A = arith.constant 2 : i32
    %mul3A_0 = arith.muli %arg1, %mul3A : i32
    %add3A = arith.addi %mul3A_0, %arg0 : i32
    %mul3A_1 = arith.constant 128 : i32
    %mul3A_2 = arith.muli %add3A, %mul3A_1 : i32
    %add3A_3 = arith.constant 0 : i32
    %add3A_4 = arith.addi %mul3A_2, %add3A_3 : i32
    %dma_start3A = arith.constant 0 : i32
    %dma_start3A_5 = tpu.memref_slice %arg2[%add3A_4, %dma_start3A] : memref<8192x1024xf32, #tpu.memory_space<hbm>> -> memref<16x1024xf32, #tpu.memory_space<hbm>>
    %dma_start3A_6 = arith.constant 0 : i32
    %dma_start3A_7 = tpu.memref_slice %arg2[%add3A_4, %dma_start3A_6] : memref<8192x1024xf32, #tpu.memory_space<hbm>> -> memref<16x1024xf32, #tpu.memory_space<hbm>>
    tpu.enqueue_dma source(%dma_start3A_7 : memref<16x1024xf32, #tpu.memory_space<hbm>>) target(%arg4 : memref<16x1024xf32, #tpu.memory_space<vmem>>) target_semaphore(%arg11 : memref<!tpu.dma_semaphore, #tpu.memory_space<semaphore_mem>>)
    %add3A_8 = arith.constant 16 : i32
    %add3A_9 = arith.addi %mul3A_2, %add3A_8 : i32
    %dma_start3A_10 = arith.constant 0 : i32
    %dma_start3A_11 = tpu.memref_slice %arg2[%add3A_9, %dma_start3A_10] : memref<8192x1024xf32, #tpu.memory_space<hbm>> -> memref<16x1024xf32, #tpu.memory_space<hbm>>
    %dma_start3A_12 = arith.constant 0 : i32
    %dma_start3A_13 = tpu.memref_slice %arg2[%add3A_9, %dma_start3A_12] : memref<8192x1024xf32, #tpu.memory_space<hbm>> -> memref<16x1024xf32, #tpu.memory_space<hbm>>
    tpu.enqueue_dma source(%dma_start3A_13 : memref<16x1024xf32, #tpu.memory_space<hbm>>) target(%arg5 : memref<16x1024xf32, #tpu.memory_space<vmem>>) target_semaphore(%arg12 : memref<!tpu.dma_semaphore, #tpu.memory_space<semaphore_mem>>)
    %add3A_14 = arith.constant 32 : i32
    %add3A_15 = arith.addi %mul3A_2, %add3A_14 : i32
    %dma_start3A_16 = arith.constant 0 : i32
    %dma_start3A_17 = tpu.memref_slice %arg2[%add3A_15, %dma_start3A_16] : memref<8192x1024xf32, #tpu.memory_space<hbm>> -> memref<16x1024xf32, #tpu.memory_space<hbm>>
    %dma_start3A_18 = arith.constant 0 : i32
    %dma_start3A_19 = tpu.memref_slice %arg2[%add3A_15, %dma_start3A_18] : memref<8192x1024xf32, #tpu.memory_space<hbm>> -> memref<16x1024xf32, #tpu.memory_space<hbm>>
    tpu.enqueue_dma source(%dma_start3A_19 : memref<16x1024xf32, #tpu.memory_space<hbm>>) target(%arg6 : memref<16x1024xf32, #tpu.memory_space<vmem>>) target_semaphore(%arg13 : memref<!tpu.dma_semaphore, #tpu.memory_space<semaphore_mem>>)
    %add3A_20 = arith.constant 48 : i32
    %add3A_21 = arith.addi %mul3A_2, %add3A_20 : i32
    %dma_start3A_22 = arith.constant 0 : i32
    %dma_start3A_23 = tpu.memref_slice %arg2[%add3A_21, %dma_start3A_22] : memref<8192x1024xf32, #tpu.memory_space<hbm>> -> memref<16x1024xf32, #tpu.memory_space<hbm>>
    %dma_start3A_24 = arith.constant 0 : i32
    %dma_start3A_25 = tpu.memref_slice %arg2[%add3A_21, %dma_start3A_24] : memref<8192x1024xf32, #tpu.memory_space<hbm>> -> memref<16x1024xf32, #tpu.memory_space<hbm>>
    tpu.enqueue_dma source(%dma_start3A_25 : memref<16x1024xf32, #tpu.memory_space<hbm>>) target(%arg7 : memref<16x1024xf32, #tpu.memory_space<vmem>>) target_semaphore(%arg14 : memref<!tpu.dma_semaphore, #tpu.memory_space<semaphore_mem>>)
    %add3A_26 = arith.constant 64 : i32
    %add3A_27 = arith.addi %mul3A_2, %add3A_26 : i32
    %dma_start3A_28 = arith.constant 0 : i32
    %dma_start3A_29 = tpu.memref_slice %arg2[%add3A_27, %dma_start3A_28] : memref<8192x1024xf32, #tpu.memory_space<hbm>> -> memref<16x1024xf32, #tpu.memory_space<hbm>>
    %dma_start3A_30 = arith.constant 0 : i32
    %dma_start3A_31 = tpu.memref_slice %arg2[%add3A_27, %dma_start3A_30] : memref<8192x1024xf32, #tpu.memory_space<hbm>> -> memref<16x1024xf32, #tpu.memory_space<hbm>>
    tpu.enqueue_dma source(%dma_start3A_31 : memref<16x1024xf32, #tpu.memory_space<hbm>>) target(%arg8 : memref<16x1024xf32, #tpu.memory_space<vmem>>) target_semaphore(%arg15 : memref<!tpu.dma_semaphore, #tpu.memory_space<semaphore_mem>>)
    %add3A_32 = arith.constant 80 : i32
    %add3A_33 = arith.addi %mul3A_2, %add3A_32 : i32
    %dma_start3A_34 = arith.constant 0 : i32
    %dma_start3A_35 = tpu.memref_slice %arg2[%add3A_33, %dma_start3A_34] : memref<8192x1024xf32, #tpu.memory_space<hbm>> -> memref<16x1024xf32, #tpu.memory_space<hbm>>
    %dma_start3A_36 = arith.constant 0 : i32
    %dma_start3A_37 = tpu.memref_slice %arg2[%add3A_33, %dma_start3A_36] : memref<8192x1024xf32, #tpu.memory_space<hbm>> -> memref<16x1024xf32, #tpu.memory_space<hbm>>
    tpu.enqueue_dma source(%dma_start3A_37 : memref<16x1024xf32, #tpu.memory_space<hbm>>) target(%arg9 : memref<16x1024xf32, #tpu.memory_space<vmem>>) target_semaphore(%arg16 : memref<!tpu.dma_semaphore, #tpu.memory_space<semaphore_mem>>)
    %add3A_38 = arith.constant 96 : i32
    %add3A_39 = arith.addi %mul3A_2, %add3A_38 : i32
    %dma_start3A_40 = arith.constant 0 : i32
    %dma_start3A_41 = tpu.memref_slice %arg2[%add3A_39, %dma_start3A_40] : memref<8192x1024xf32, #tpu.memory_space<hbm>> -> memref<16x1024xf32, #tpu.memory_space<hbm>>
    %dma_start3A_42 = arith.constant 0 : i32
    %dma_start3A_43 = tpu.memref_slice %arg2[%add3A_39, %dma_start3A_42] : memref<8192x1024xf32, #tpu.memory_space<hbm>> -> memref<16x1024xf32, #tpu.memory_space<hbm>>
    tpu.enqueue_dma source(%dma_start3A_43 : memref<16x1024xf32, #tpu.memory_space<hbm>>) target(%arg10 : memref<16x1024xf32, #tpu.memory_space<vmem>>) target_semaphore(%arg17 : memref<!tpu.dma_semaphore, #tpu.memory_space<semaphore_mem>>)
    %dma_wait3A = arith.constant 0 : i32
    %dma_wait3A_44 = tpu.memref_slice %arg2[%add3A_4, %dma_wait3A] : memref<8192x1024xf32, #tpu.memory_space<hbm>> -> memref<16x1024xf32, #tpu.memory_space<hbm>>
    %dma_wait3A_45 = arith.constant 0 : i32
    %dma_wait3A_46 = tpu.memref_slice %arg2[%add3A_4, %dma_wait3A_45] : memref<8192x1024xf32, #tpu.memory_space<hbm>> -> memref<16x1024xf32, #tpu.memory_space<hbm>>
    tpu.wait_dma2 semaphore(%arg11 : memref<!tpu.dma_semaphore, #tpu.memory_space<semaphore_mem>>) src(%dma_wait3A_46 : memref<16x1024xf32, #tpu.memory_space<hbm>>) dst(%arg4 : memref<16x1024xf32, #tpu.memory_space<vmem>>)
    %add3A_47 = arith.constant 0 : i32
    %add3A_48 = arith.addi %mul3A_2, %add3A_47 : i32
    %dma_start3A_49 = arith.constant 0 : i32
    %dma_start3A_50 = tpu.memref_slice %arg3[%add3A_48, %dma_start3A_49] : memref<4096x1024xf32, #tpu.memory_space<hbm>> -> memref<16x1024xf32, #tpu.memory_space<hbm>>
    %dma_start3A_51 = arith.constant 0 : i32
    %dma_start3A_52 = tpu.memref_slice %arg3[%add3A_48, %dma_start3A_51] : memref<4096x1024xf32, #tpu.memory_space<hbm>> -> memref<16x1024xf32, #tpu.memory_space<hbm>>
    tpu.enqueue_dma source(%arg4 : memref<16x1024xf32, #tpu.memory_space<vmem>>) target(%dma_start3A_52 : memref<16x1024xf32, #tpu.memory_space<hbm>>) target_semaphore(%arg18 : memref<!tpu.dma_semaphore, #tpu.memory_space<semaphore_mem>>)
    %dma_wait3A_53 = arith.constant 0 : i32
    %dma_wait3A_54 = tpu.memref_slice %arg2[%add3A_9, %dma_wait3A_53] : memref<8192x1024xf32, #tpu.memory_space<hbm>> -> memref<16x1024xf32, #tpu.memory_space<hbm>>
    %dma_wait3A_55 = arith.constant 0 : i32
    %dma_wait3A_56 = tpu.memref_slice %arg2[%add3A_9, %dma_wait3A_55] : memref<8192x1024xf32, #tpu.memory_space<hbm>> -> memref<16x1024xf32, #tpu.memory_space<hbm>>
    tpu.wait_dma2 semaphore(%arg12 : memref<!tpu.dma_semaphore, #tpu.memory_space<semaphore_mem>>) src(%dma_wait3A_56 : memref<16x1024xf32, #tpu.memory_space<hbm>>) dst(%arg5 : memref<16x1024xf32, #tpu.memory_space<vmem>>)
    %add3A_57 = arith.constant 16 : i32
    %add3A_58 = arith.addi %mul3A_2, %add3A_57 : i32
    %dma_start3A_59 = arith.constant 0 : i32
    %dma_start3A_60 = tpu.memref_slice %arg3[%add3A_58, %dma_start3A_59] : memref<4096x1024xf32, #tpu.memory_space<hbm>> -> memref<16x1024xf32, #tpu.memory_space<hbm>>
    %dma_start3A_61 = arith.constant 0 : i32
    %dma_start3A_62 = tpu.memref_slice %arg3[%add3A_58, %dma_start3A_61] : memref<4096x1024xf32, #tpu.memory_space<hbm>> -> memref<16x1024xf32, #tpu.memory_space<hbm>>
    tpu.enqueue_dma source(%arg5 : memref<16x1024xf32, #tpu.memory_space<vmem>>) target(%dma_start3A_62 : memref<16x1024xf32, #tpu.memory_space<hbm>>) target_semaphore(%arg19 : memref<!tpu.dma_semaphore, #tpu.memory_space<semaphore_mem>>)
    %dma_wait3A_63 = arith.constant 0 : i32
    %dma_wait3A_64 = tpu.memref_slice %arg2[%add3A_15, %dma_wait3A_63] : memref<8192x1024xf32, #tpu.memory_space<hbm>> -> memref<16x1024xf32, #tpu.memory_space<hbm>>
    %dma_wait3A_65 = arith.constant 0 : i32
    %dma_wait3A_66 = tpu.memref_slice %arg2[%add3A_15, %dma_wait3A_65] : memref<8192x1024xf32, #tpu.memory_space<hbm>> -> memref<16x1024xf32, #tpu.memory_space<hbm>>
    tpu.wait_dma2 semaphore(%arg13 : memref<!tpu.dma_semaphore, #tpu.memory_space<semaphore_mem>>) src(%dma_wait3A_66 : memref<16x1024xf32, #tpu.memory_space<hbm>>) dst(%arg6 : memref<16x1024xf32, #tpu.memory_space<vmem>>)
    %add3A_67 = arith.constant 32 : i32
    %add3A_68 = arith.addi %mul3A_2, %add3A_67 : i32
    %dma_start3A_69 = arith.constant 0 : i32
    %dma_start3A_70 = tpu.memref_slice %arg3[%add3A_68, %dma_start3A_69] : memref<4096x1024xf32, #tpu.memory_space<hbm>> -> memref<16x1024xf32, #tpu.memory_space<hbm>>
    %dma_start3A_71 = arith.constant 0 : i32
    %dma_start3A_72 = tpu.memref_slice %arg3[%add3A_68, %dma_start3A_71] : memref<4096x1024xf32, #tpu.memory_space<hbm>> -> memref<16x1024xf32, #tpu.memory_space<hbm>>
    tpu.enqueue_dma source(%arg6 : memref<16x1024xf32, #tpu.memory_space<vmem>>) target(%dma_start3A_72 : memref<16x1024xf32, #tpu.memory_space<hbm>>) target_semaphore(%arg20 : memref<!tpu.dma_semaphore, #tpu.memory_space<semaphore_mem>>)
    %dma_wait3A_73 = arith.constant 0 : i32
    %dma_wait3A_74 = tpu.memref_slice %arg2[%add3A_21, %dma_wait3A_73] : memref<8192x1024xf32, #tpu.memory_space<hbm>> -> memref<16x1024xf32, #tpu.memory_space<hbm>>
    %dma_wait3A_75 = arith.constant 0 : i32
    %dma_wait3A_76 = tpu.memref_slice %arg2[%add3A_21, %dma_wait3A_75] : memref<8192x1024xf32, #tpu.memory_space<hbm>> -> memref<16x1024xf32, #tpu.memory_space<hbm>>
    tpu.wait_dma2 semaphore(%arg14 : memref<!tpu.dma_semaphore, #tpu.memory_space<semaphore_mem>>) src(%dma_wait3A_76 : memref<16x1024xf32, #tpu.memory_space<hbm>>) dst(%arg7 : memref<16x1024xf32, #tpu.memory_space<vmem>>)
    %add3A_77 = arith.constant 48 : i32
    %add3A_78 = arith.addi %mul3A_2, %add3A_77 : i32
    %dma_start3A_79 = arith.constant 0 : i32
    %dma_start3A_80 = tpu.memref_slice %arg3[%add3A_78, %dma_start3A_79] : memref<4096x1024xf32, #tpu.memory_space<hbm>> -> memref<16x1024xf32, #tpu.memory_space<hbm>>
    %dma_start3A_81 = arith.constant 0 : i32
    %dma_start3A_82 = tpu.memref_slice %arg3[%add3A_78, %dma_start3A_81] : memref<4096x1024xf32, #tpu.memory_space<hbm>> -> memref<16x1024xf32, #tpu.memory_space<hbm>>
    tpu.enqueue_dma source(%arg7 : memref<16x1024xf32, #tpu.memory_space<vmem>>) target(%dma_start3A_82 : memref<16x1024xf32, #tpu.memory_space<hbm>>) target_semaphore(%arg21 : memref<!tpu.dma_semaphore, #tpu.memory_space<semaphore_mem>>)
    %dma_wait3A_83 = arith.constant 0 : i32
    %dma_wait3A_84 = tpu.memref_slice %arg2[%add3A_27, %dma_wait3A_83] : memref<8192x1024xf32, #tpu.memory_space<hbm>> -> memref<16x1024xf32, #tpu.memory_space<hbm>>
    %dma_wait3A_85 = arith.constant 0 : i32
    %dma_wait3A_86 = tpu.memref_slice %arg2[%add3A_27, %dma_wait3A_85] : memref<8192x1024xf32, #tpu.memory_space<hbm>> -> memref<16x1024xf32, #tpu.memory_space<hbm>>
    tpu.wait_dma2 semaphore(%arg15 : memref<!tpu.dma_semaphore, #tpu.memory_space<semaphore_mem>>) src(%dma_wait3A_86 : memref<16x1024xf32, #tpu.memory_space<hbm>>) dst(%arg8 : memref<16x1024xf32, #tpu.memory_space<vmem>>)
    %add3A_87 = arith.constant 64 : i32
    %add3A_88 = arith.addi %mul3A_2, %add3A_87 : i32
    %dma_start3A_89 = arith.constant 0 : i32
    %dma_start3A_90 = tpu.memref_slice %arg3[%add3A_88, %dma_start3A_89] : memref<4096x1024xf32, #tpu.memory_space<hbm>> -> memref<16x1024xf32, #tpu.memory_space<hbm>>
    %dma_start3A_91 = arith.constant 0 : i32
    %dma_start3A_92 = tpu.memref_slice %arg3[%add3A_88, %dma_start3A_91] : memref<4096x1024xf32, #tpu.memory_space<hbm>> -> memref<16x1024xf32, #tpu.memory_space<hbm>>
    tpu.enqueue_dma source(%arg8 : memref<16x1024xf32, #tpu.memory_space<vmem>>) target(%dma_start3A_92 : memref<16x1024xf32, #tpu.memory_space<hbm>>) target_semaphore(%arg22 : memref<!tpu.dma_semaphore, #tpu.memory_space<semaphore_mem>>)
    %dma_wait3A_93 = arith.constant 0 : i32
    %dma_wait3A_94 = tpu.memref_slice %arg2[%add3A_33, %dma_wait3A_93] : memref<8192x1024xf32, #tpu.memory_space<hbm>> -> memref<16x1024xf32, #tpu.memory_space<hbm>>
    %dma_wait3A_95 = arith.constant 0 : i32
    %dma_wait3A_96 = tpu.memref_slice %arg2[%add3A_33, %dma_wait3A_95] : memref<8192x1024xf32, #tpu.memory_space<hbm>> -> memref<16x1024xf32, #tpu.memory_space<hbm>>
    tpu.wait_dma2 semaphore(%arg16 : memref<!tpu.dma_semaphore, #tpu.memory_space<semaphore_mem>>) src(%dma_wait3A_96 : memref<16x1024xf32, #tpu.memory_space<hbm>>) dst(%arg9 : memref<16x1024xf32, #tpu.memory_space<vmem>>)
    %add3A_97 = arith.constant 80 : i32
    %add3A_98 = arith.addi %mul3A_2, %add3A_97 : i32
    %dma_start3A_99 = arith.constant 0 : i32
    %dma_start3A_100 = tpu.memref_slice %arg3[%add3A_98, %dma_start3A_99] : memref<4096x1024xf32, #tpu.memory_space<hbm>> -> memref<16x1024xf32, #tpu.memory_space<hbm>>
    %dma_start3A_101 = arith.constant 0 : i32
    %dma_start3A_102 = tpu.memref_slice %arg3[%add3A_98, %dma_start3A_101] : memref<4096x1024xf32, #tpu.memory_space<hbm>> -> memref<16x1024xf32, #tpu.memory_space<hbm>>
    tpu.enqueue_dma source(%arg9 : memref<16x1024xf32, #tpu.memory_space<vmem>>) target(%dma_start3A_102 : memref<16x1024xf32, #tpu.memory_space<hbm>>) target_semaphore(%arg23 : memref<!tpu.dma_semaphore, #tpu.memory_space<semaphore_mem>>)
    %dma_wait3A_103 = arith.constant 0 : i32
    %dma_wait3A_104 = tpu.memref_slice %arg2[%add3A_39, %dma_wait3A_103] : memref<8192x1024xf32, #tpu.memory_space<hbm>> -> memref<16x1024xf32, #tpu.memory_space<hbm>>
    %dma_wait3A_105 = arith.constant 0 : i32
    %dma_wait3A_106 = tpu.memref_slice %arg2[%add3A_39, %dma_wait3A_105] : memref<8192x1024xf32, #tpu.memory_space<hbm>> -> memref<16x1024xf32, #tpu.memory_space<hbm>>
    tpu.wait_dma2 semaphore(%arg17 : memref<!tpu.dma_semaphore, #tpu.memory_space<semaphore_mem>>) src(%dma_wait3A_106 : memref<16x1024xf32, #tpu.memory_space<hbm>>) dst(%arg10 : memref<16x1024xf32, #tpu.memory_space<vmem>>)
    %add3A_107 = arith.constant 96 : i32
    %add3A_108 = arith.addi %mul3A_2, %add3A_107 : i32
    %dma_start3A_109 = arith.constant 0 : i32
    %dma_start3A_110 = tpu.memref_slice %arg3[%add3A_108, %dma_start3A_109] : memref<4096x1024xf32, #tpu.memory_space<hbm>> -> memref<16x1024xf32, #tpu.memory_space<hbm>>
    %dma_start3A_111 = arith.constant 0 : i32
    %dma_start3A_112 = tpu.memref_slice %arg3[%add3A_108, %dma_start3A_111] : memref<4096x1024xf32, #tpu.memory_space<hbm>> -> memref<16x1024xf32, #tpu.memory_space<hbm>>
    tpu.enqueue_dma source(%arg10 : memref<16x1024xf32, #tpu.memory_space<vmem>>) target(%dma_start3A_112 : memref<16x1024xf32, #tpu.memory_space<hbm>>) target_semaphore(%arg24 : memref<!tpu.dma_semaphore, #tpu.memory_space<semaphore_mem>>)
    %dma_wait3A_113 = arith.constant 0 : i32
    %dma_wait3A_114 = tpu.memref_slice %arg3[%add3A_48, %dma_wait3A_113] : memref<4096x1024xf32, #tpu.memory_space<hbm>> -> memref<16x1024xf32, #tpu.memory_space<hbm>>
    %dma_wait3A_115 = arith.constant 0 : i32
    %dma_wait3A_116 = tpu.memref_slice %arg3[%add3A_48, %dma_wait3A_115] : memref<4096x1024xf32, #tpu.memory_space<hbm>> -> memref<16x1024xf32, #tpu.memory_space<hbm>>
    tpu.wait_dma2 semaphore(%arg18 : memref<!tpu.dma_semaphore, #tpu.memory_space<semaphore_mem>>) src(%arg4 : memref<16x1024xf32, #tpu.memory_space<vmem>>) dst(%dma_wait3A_116 : memref<16x1024xf32, #tpu.memory_space<hbm>>)
    %add3A_117 = arith.constant 112 : i32
    %add3A_118 = arith.addi %mul3A_2, %add3A_117 : i32
    %dma_start3A_119 = arith.constant 0 : i32
    %dma_start3A_120 = tpu.memref_slice %arg2[%add3A_118, %dma_start3A_119] : memref<8192x1024xf32, #tpu.memory_space<hbm>> -> memref<16x1024xf32, #tpu.memory_space<hbm>>
    %dma_start3A_121 = arith.constant 0 : i32
    %dma_start3A_122 = tpu.memref_slice %arg2[%add3A_118, %dma_start3A_121] : memref<8192x1024xf32, #tpu.memory_space<hbm>> -> memref<16x1024xf32, #tpu.memory_space<hbm>>
    tpu.enqueue_dma source(%dma_start3A_122 : memref<16x1024xf32, #tpu.memory_space<hbm>>) target(%arg4 : memref<16x1024xf32, #tpu.memory_space<vmem>>) target_semaphore(%arg11 : memref<!tpu.dma_semaphore, #tpu.memory_space<semaphore_mem>>)
    %dma_wait3A_123 = arith.constant 0 : i32
    %dma_wait3A_124 = tpu.memref_slice %arg2[%add3A_118, %dma_wait3A_123] : memref<8192x1024xf32, #tpu.memory_space<hbm>> -> memref<16x1024xf32, #tpu.memory_space<hbm>>
    %dma_wait3A_125 = arith.constant 0 : i32
    %dma_wait3A_126 = tpu.memref_slice %arg2[%add3A_118, %dma_wait3A_125] : memref<8192x1024xf32, #tpu.memory_space<hbm>> -> memref<16x1024xf32, #tpu.memory_space<hbm>>
    tpu.wait_dma2 semaphore(%arg11 : memref<!tpu.dma_semaphore, #tpu.memory_space<semaphore_mem>>) src(%dma_wait3A_126 : memref<16x1024xf32, #tpu.memory_space<hbm>>) dst(%arg4 : memref<16x1024xf32, #tpu.memory_space<vmem>>)
    %add3A_127 = arith.constant 112 : i32
    %add3A_128 = arith.addi %mul3A_2, %add3A_127 : i32
    %dma_start3A_129 = arith.constant 0 : i32
    %dma_start3A_130 = tpu.memref_slice %arg3[%add3A_128, %dma_start3A_129] : memref<4096x1024xf32, #tpu.memory_space<hbm>> -> memref<16x1024xf32, #tpu.memory_space<hbm>>
    %dma_start3A_131 = arith.constant 0 : i32
    %dma_start3A_132 = tpu.memref_slice %arg3[%add3A_128, %dma_start3A_131] : memref<4096x1024xf32, #tpu.memory_space<hbm>> -> memref<16x1024xf32, #tpu.memory_space<hbm>>
    tpu.enqueue_dma source(%arg4 : memref<16x1024xf32, #tpu.memory_space<vmem>>) target(%dma_start3A_132 : memref<16x1024xf32, #tpu.memory_space<hbm>>) target_semaphore(%arg18 : memref<!tpu.dma_semaphore, #tpu.memory_space<semaphore_mem>>)
    %dma_wait3A_133 = arith.constant 0 : i32
    %dma_wait3A_134 = tpu.memref_slice %arg3[%add3A_58, %dma_wait3A_133] : memref<4096x1024xf32, #tpu.memory_space<hbm>> -> memref<16x1024xf32, #tpu.memory_space<hbm>>
    %dma_wait3A_135 = arith.constant 0 : i32
    %dma_wait3A_136 = tpu.memref_slice %arg3[%add3A_58, %dma_wait3A_135] : memref<4096x1024xf32, #tpu.memory_space<hbm>> -> memref<16x1024xf32, #tpu.memory_space<hbm>>
    tpu.wait_dma2 semaphore(%arg19 : memref<!tpu.dma_semaphore, #tpu.memory_space<semaphore_mem>>) src(%arg5 : memref<16x1024xf32, #tpu.memory_space<vmem>>) dst(%dma_wait3A_136 : memref<16x1024xf32, #tpu.memory_space<hbm>>)
    %dma_wait3A_137 = arith.constant 0 : i32
    %dma_wait3A_138 = tpu.memref_slice %arg3[%add3A_68, %dma_wait3A_137] : memref<4096x1024xf32, #tpu.memory_space<hbm>> -> memref<16x1024xf32, #tpu.memory_space<hbm>>
    %dma_wait3A_139 = arith.constant 0 : i32
    %dma_wait3A_140 = tpu.memref_slice %arg3[%add3A_68, %dma_wait3A_139] : memref<4096x1024xf32, #tpu.memory_space<hbm>> -> memref<16x1024xf32, #tpu.memory_space<hbm>>
    tpu.wait_dma2 semaphore(%arg20 : memref<!tpu.dma_semaphore, #tpu.memory_space<semaphore_mem>>) src(%arg6 : memref<16x1024xf32, #tpu.memory_space<vmem>>) dst(%dma_wait3A_140 : memref<16x1024xf32, #tpu.memory_space<hbm>>)
    %dma_wait3A_141 = arith.constant 0 : i32
    %dma_wait3A_142 = tpu.memref_slice %arg3[%add3A_78, %dma_wait3A_141] : memref<4096x1024xf32, #tpu.memory_space<hbm>> -> memref<16x1024xf32, #tpu.memory_space<hbm>>
    %dma_wait3A_143 = arith.constant 0 : i32
    %dma_wait3A_144 = tpu.memref_slice %arg3[%add3A_78, %dma_wait3A_143] : memref<4096x1024xf32, #tpu.memory_space<hbm>> -> memref<16x1024xf32, #tpu.memory_space<hbm>>
    tpu.wait_dma2 semaphore(%arg21 : memref<!tpu.dma_semaphore, #tpu.memory_space<semaphore_mem>>) src(%arg7 : memref<16x1024xf32, #tpu.memory_space<vmem>>) dst(%dma_wait3A_144 : memref<16x1024xf32, #tpu.memory_space<hbm>>)
    %dma_wait3A_145 = arith.constant 0 : i32
    %dma_wait3A_146 = tpu.memref_slice %arg3[%add3A_88, %dma_wait3A_145] : memref<4096x1024xf32, #tpu.memory_space<hbm>> -> memref<16x1024xf32, #tpu.memory_space<hbm>>
    %dma_wait3A_147 = arith.constant 0 : i32
    %dma_wait3A_148 = tpu.memref_slice %arg3[%add3A_88, %dma_wait3A_147] : memref<4096x1024xf32, #tpu.memory_space<hbm>> -> memref<16x1024xf32, #tpu.memory_space<hbm>>
    tpu.wait_dma2 semaphore(%arg22 : memref<!tpu.dma_semaphore, #tpu.memory_space<semaphore_mem>>) src(%arg8 : memref<16x1024xf32, #tpu.memory_space<vmem>>) dst(%dma_wait3A_148 : memref<16x1024xf32, #tpu.memory_space<hbm>>)
    %dma_wait3A_149 = arith.constant 0 : i32
    %dma_wait3A_150 = tpu.memref_slice %arg3[%add3A_98, %dma_wait3A_149] : memref<4096x1024xf32, #tpu.memory_space<hbm>> -> memref<16x1024xf32, #tpu.memory_space<hbm>>
    %dma_wait3A_151 = arith.constant 0 : i32
    %dma_wait3A_152 = tpu.memref_slice %arg3[%add3A_98, %dma_wait3A_151] : memref<4096x1024xf32, #tpu.memory_space<hbm>> -> memref<16x1024xf32, #tpu.memory_space<hbm>>
    tpu.wait_dma2 semaphore(%arg23 : memref<!tpu.dma_semaphore, #tpu.memory_space<semaphore_mem>>) src(%arg9 : memref<16x1024xf32, #tpu.memory_space<vmem>>) dst(%dma_wait3A_152 : memref<16x1024xf32, #tpu.memory_space<hbm>>)
    %dma_wait3A_153 = arith.constant 0 : i32
    %dma_wait3A_154 = tpu.memref_slice %arg3[%add3A_108, %dma_wait3A_153] : memref<4096x1024xf32, #tpu.memory_space<hbm>> -> memref<16x1024xf32, #tpu.memory_space<hbm>>
    %dma_wait3A_155 = arith.constant 0 : i32
    %dma_wait3A_156 = tpu.memref_slice %arg3[%add3A_108, %dma_wait3A_155] : memref<4096x1024xf32, #tpu.memory_space<hbm>> -> memref<16x1024xf32, #tpu.memory_space<hbm>>
    tpu.wait_dma2 semaphore(%arg24 : memref<!tpu.dma_semaphore, #tpu.memory_space<semaphore_mem>>) src(%arg10 : memref<16x1024xf32, #tpu.memory_space<vmem>>) dst(%dma_wait3A_156 : memref<16x1024xf32, #tpu.memory_space<hbm>>)
    %dma_wait3A_157 = arith.constant 0 : i32
    %dma_wait3A_158 = tpu.memref_slice %arg3[%add3A_128, %dma_wait3A_157] : memref<4096x1024xf32, #tpu.memory_space<hbm>> -> memref<16x1024xf32, #tpu.memory_space<hbm>>
    %dma_wait3A_159 = arith.constant 0 : i32
    %dma_wait3A_160 = tpu.memref_slice %arg3[%add3A_128, %dma_wait3A_159] : memref<4096x1024xf32, #tpu.memory_space<hbm>> -> memref<16x1024xf32, #tpu.memory_space<hbm>>
    tpu.wait_dma2 semaphore(%arg18 : memref<!tpu.dma_semaphore, #tpu.memory_space<semaphore_mem>>) src(%arg4 : memref<16x1024xf32, #tpu.memory_space<vmem>>) dst(%dma_wait3A_160 : memref<16x1024xf32, #tpu.memory_space<hbm>>)
    return
  }
}

</mosaic_0001>

<sc_bundles>
// kernel: kernel.3.cloned.1.call-start
scs
__scs_entry_jumppad:
0x0: {  	(pc) =	sbr.rel $0x88, $3  }
0x1: {  	(tag) =	ssettag $0x0;
	lr =	simm.s32 $0x1  }
0x2: {  	[smem:$0x3FA0] =	sst lr;
	_ =	strace $0xD0000000  }
0x3: {  	_ = 	snop  }
0x4: {  	_ = 	snop  }
0x5: {  	_ = 	snop  }
0x6: {  	_ = 	snop  }
0x7: {  	_ = 	snop  }
__scs_overlays_trampoline_lowered:
0x8: {  	[smem:$0x3FAF] =	sst s0  }
0x9: {  	[smem:$0x3FB0] =	sst s1  }
0xa: {  	[smem:$0x3FB1] =	sst s2  }
0xb: {  	[smem:$0x3FB2] =	sst s3  }
0xc: {  	[smem:$0x3FB3] =	sst s4  }
0xd: {  	[smem:$0x3FB4] =	sst s5  }
0xe: {  	[smem:$0x3FB5] =	sst s6  }
0xf: {  	[smem:$0x3FB6] =	sst s7  }
0x10: {  	[smem:$0x3FB7] =	sst s8  }
0x11: {  	[smem:$0x3FB8] =	sst s9;
	s0 =	simm.s32 @!p0 $0x0  }
0x12: {  	s1 =	sld [smem:$0x3F9E];
	s0 =	simm.s32 @p0 $0x1  }
0x13: {  	[smem:$0x3FB9] =	sst s0;
	s0 =	simm.s32 @!p1 $0x0  }
0x14: {  	s2 =	sld [smem:$0x3F9D];
	s0 =	simm.s32 @p1 $0x1  }
0x15: {  	[smem:$0x3FBA] =	sst s0;
	s0 =	simm.s32 @!p2 $0x0  }
0x16: {  	s3 =	sld [smem:$0x3FDB];
	s0 =	simm.s32 @p2 $0x1  }
0x17: {  	s4 =	simm.s32 $0x1BF5;
	[smem:$0x3FBC] =	sst s0  }
0x18: {  	s0 =	sld [smem:$0x3F9F];
	_ =	swait.ge [sflag:s4], $0x0  }
0x19: {  	s7 =	sld [smem:$0x3FA0]  }
0x1a: {  	s8 =	sadd.s32 $0xFFFFE003, lr  }
0x1b: {  	s9 =	sadd.s32 $0xFFFFFEF7, lr;
	s5 =	simm.s32 $0xFFFFFFFF;
	p2 =	slt.u32 s8, $0xFFFFF086  }
0x1c: {  	p1 =	slt.u32 s9, $0xF7A;
	s5 =	simm.s32 @!p2 $0x0  }
0x1d: {  	s5 =	simm.s32 @p1 $0x1;
	p0 =	seq.s32 s7, s2  }
0x1e: {  	s7 =	smul.u32 @!p0 $0xF7A, s2;
	p2 =	seq.s32 @!p0 s5, $0x0  }
0x1f: {  	s9 =	smul.u32 $0xF7A, s1;
	s8 =	simm.s32 @!p0 $0x1BF5;
	p2 =	por !p2, p0  }
0x20: {  	[sflag:s8] =	ssyncset.s32 @!p0 $0xFFFFF086;
	s6 =	sadd.s32 @!p0 s3, s7;
	s7 =	simm.s32 @!p0 $0x108  }
0x21: {  	s3 =	sadd.s32 s3, s9;
	s6 =	sadd.s32 @!p0 $0x88, s6;
	s7 =	simm.s32 @p2 $0x1082  }
0x22: {  	[simem:s7], [sflag:s8] =	dma.local @!p0 [hbm:s6], $0xF7A  }
0x23: {  	s9 =	sor.u32 $0xD0000000, s2;
	s6 =	simm.s32 $0x108;
	_ =	swait.ge @!p0 [sflag:s8], $0x0  }
0x24: {  	s3 =	sadd.s32 $0x88, s3;
	s6 =	simm.s32 @!p1 $0x1082;
	[sflag:s4] =	ssyncset.s32 $0xFFFFF086  }
0x25: {  	[simem:s6], [sflag:s4] =	dma.local [hbm:s3], $0xF7A  }
0x26: {  	[smem:$0x3FA0] =	sst s1;
	(tag) =	ssettag s2;
	_ =	strace s9  }
0x27: {  	s1 =	sld [smem:$0x3FB0]  }
0x28: {  	s2 =	sld [smem:$0x3FB1]  }
0x29: {  	s4 =	sld [smem:$0x3FB3]  }
0x2a: {  	p0 =	seq.s32 s5, $0x0;
	s5 =	sld [smem:$0x3FB4]  }
0x2b: {  	s6 =	sld [smem:$0x3FB5]  }
0x2c: {  	s7 =	sld [smem:$0x3FB6]  }
0x2d: {  	s3 =	simm.s32 $0x108;
	s8 =	sld [smem:$0x3FB7]  }
0x2e: {  	s3 =	simm.s32 @!p0 $0x1082;
	s9 =	sld [smem:$0x3FB8]  }
0x2f: {  	lr =	sadd.s32 s0, s3;
	s0 =	sld [smem:$0x3FAF]  }
0x30: {  	s3 =	sld [smem:$0x3FB2]  }
0x31: {  	[smem:$0x3FBB] =	sst s10  }
0x32: {  	s10 =	sld [smem:$0x3FB9];
	_ =	sdelay $0x3  }
0x33: {  	p0 =	seq.s32 s10, $0x1;
	s10 =	sld [smem:$0x3FBB];
	_ =	sdelay $0x3  }
0x34: {  	[smem:$0x3FBB] =	sst s10  }
0x35: {  	s10 =	sld [smem:$0x3FBA];
	_ =	sdelay $0x3  }
0x36: {  	p1 =	seq.s32 s10, $0x1;
	s10 =	sld [smem:$0x3FBB];
	_ =	sdelay $0x3  }
0x37: {  	[smem:$0x3FBB] =	sst s10  }
0x38: {  	s10 =	sld [smem:$0x3FBC]  }
0x39: {  	_ = 	snop;
	(pc) =	sbr.ind lr, $3  }
0x3a: {  	_ = 	snop  }
0x3b: {  	_ = 	snop  }
0x3c: {  	p2 =	seq.s32 s10, $0x1;
	s10 =	sld [smem:$0x3FBB]  }
0x3d: {  	_ =	shalt  }
0x3e: {  	_ =	shalt  }
0x3f: {  	_ =	shalt  }
0x40: {  	_ =	shalt  }
0x41: {  	_ =	shalt  }
0x42: {  	_ =	shalt  }
0x43: {  	_ =	shalt  }
0x44: {  	_ =	shalt  }
0x45: {  	_ =	shalt  }
0x46: {  	_ =	shalt  }
0x47: {  	_ =	shalt  }
0x48: {  	_ =	shalt  }
0x49: {  	_ =	shalt  }
0x4a: {  	_ =	shalt  }
0x4b: {  	_ =	shalt  }
0x4c: {  	_ =	shalt  }
0x4d: {  	_ =	shalt  }
0x4e: {  	_ =	shalt  }
0x4f: {  	_ =	shalt  }
0x50: {  	_ =	shalt  }
0x51: {  	_ =	shalt  }
0x52: {  	_ =	shalt  }
0x53: {  	_ =	shalt  }
0x54: {  	_ =	shalt  }
0x55: {  	_ =	shalt  }
0x56: {  	_ =	shalt  }
0x57: {  	_ =	shalt  }
0x58: {  	_ =	shalt  }
0x59: {  	_ =	shalt  }
0x5a: {  	_ =	shalt  }
0x5b: {  	_ =	shalt  }
0x5c: {  	_ =	shalt  }
0x5d: {  	_ =	shalt  }
0x5e: {  	_ =	shalt  }
0x5f: {  	_ =	shalt  }
0x60: {  	_ =	shalt  }
0x61: {  	_ =	shalt  }
0x62: {  	_ =	shalt  }
0x63: {  	_ =	shalt  }
0x64: {  	_ =	shalt  }
0x65: {  	_ =	shalt  }
0x66: {  	_ =	shalt  }
0x67: {  	_ =	shalt  }
0x68: {  	_ =	shalt  }
0x69: {  	_ =	shalt  }
0x6a: {  	_ =	shalt  }
0x6b: {  	_ =	shalt  }
0x6c: {  	_ =	shalt  }
0x6d: {  	_ =	shalt  }
0x6e: {  	_ =	shalt  }
0x6f: {  	_ =	shalt  }
0x70: {  	_ =	shalt  }
0x71: {  	_ =	shalt  }
0x72: {  	_ =	shalt  }
0x73: {  	_ =	shalt  }
0x74: {  	_ =	shalt  }
0x75: {  	_ =	shalt  }
0x76: {  	_ =	shalt  }
0x77: {  	_ =	shalt  }
0x78: {  	_ =	shalt  }
0x79: {  	_ =	shalt  }
0x7a: {  	_ =	shalt  }
0x7b: {  	_ =	shalt  }
0x7c: {  	_ =	shalt  }
0x7d: {  	_ =	shalt  }
0x7e: {  	_ =	shalt  }
0x7f: {  	_ =	shalt  }
0x80: {  	_ =	shalt  }
0x81: {  	_ =	shalt  }
0x82: {  	_ =	shalt  }
0x83: {  	_ =	shalt  }
0x84: {  	_ =	shalt  }
0x85: {  	_ =	shalt  }
0x86: {  	_ =	shalt  }
0x87: {  	_ =	shalt  }
.Lfunc_end0:
.L_simem_size_0:
called_computation_lowered:
.L_overlay_start_0:
0x88: {  	s2 =	sld [smem:$0x3FD9]  }
0x89: {  	s3 =	sld [smem:$0x3FFE];
	_ =	sdelay $0x1  }
0x8a: {  	s1 =	srdreg.scid  }
0x8b: {  	s0 =	sand.u32 $0x1, s1  }
0x8c: {  	s18 =	sshll.u32 s0, $0xA;
	s2 =	sadd.s32 s3, s2  }
0x8d: {  	s2 =	sadd.s32 s2, s18  }
0x8e: {  	[smem:$0x3FC7] =	sst s2  }
0x8f: {  	_ = 	snop  }
0x90: {  	s2 =	sld [smem:$0x3FC9]  }
0x91: {  	s19 =	sld [smem:$0x3FD0];
	(tm) =	ssettm $0x1  }
0x92: {  	s4 =	sld [smem:$0x3FFB];
	_ =	sdelay $0x3  }
0x93: {  	_ =	strace s4  }
0x94: {  	s4 =	sld [smem:$0x3FFC];
	_ =	sdelay $0x3  }
0x95: {  	_ =	strace s4  }
0x96: {  	s4 =	sld [smem:$0x3FFD];
	_ =	sdelay $0x3  }
0x97: {  	_ =	strace s4  }
0x98: {  	_ =	strace $0x8FFFFFFF  }
0x99: {  	s20 =	sld [smem:$0x3FDB];
	_ =	sdelay $0x1  }
0x9a: {  	s5 =	simm.s32 $_scs_section_size  }
0x9b: {  	s6 =	simm.s32 $_size__tile_overlayer_lowered;
	s7 =	simm.s32 $_tile_overlayer_lowered  }
0x9c: {  	s23 =	simm.s32 $0x1BFF;
	s22 =	sshll.u32 s7, $0x1;
	s4 =	sadd.s32 s5, s20  }
0x9d: {  	s8 =	simm.s32 $0x0;
	s21 =	sshll.u32 s6, $0x1;
	s6 =	sadd.s32 s22, s4  }
0x9e: {  	[timem:s8], [sflag:s23] =	dma.local [hbm:s6], s21  }
0x9f: {  	_ =	swait.ge [sflag:s23], s21  }
0xa0: {  	s5 =	ssub.s32 $0x0, s21;
	[sflag:s23] =	ssyncset.done $0x0  }
0xa1: {  	[sflag:s23] =	ssyncadd.s32 s5;
	_ =	sdelay $0x1  }
0xa2: {  	s24 =	simm.s32 $0x1B8B  }
0xa3: {  	_ =	swait.ge [sflag:s24], $0x1  }
0xa4: {  	[sflag:s24] =	ssyncset.done $0x0  }
0xa5: {  	s25 =	simm.s32 $0x1B8E;
	[sflag:s24] =	ssyncadd.s32 $0xFFFFFFFF  }
0xa6: {  	s26 =	simm.s32 $execute0_lowered;
	[smem:$0x3FD2] =	sst s25  }
0xa7: {  	s5 =	sshll.u32 s26, $0x1;
	_ =	strace $0x80000046;
	[dreg:$0x1] =	wrdreg $0xFFFFFFFF  }
0xa8: {  	s28 =	simm.s32 $_size_execute0_lowered;
	s4 =	sadd.s32 s4, s5;
	[dreg:$0x0] =	wrdreg $0x0  }
0xa9: {  	s5 =	sshll.u32 s28, $0x1;
	[dreg:$0x2] =	wrdreg s4  }
0xaa: {  	[dreg:$0x3] =	wrdreg s5  }
0xab: {  	[dreg:$0x4] =	wrdreg $0xC0  }
0xac: {  	_ =	task [dreg:s8], $0x5FFFF  }
0xad: {  	[dreg:$0x1] =	wrdreg $0xFFFFFFFF  }
0xae: {  	[dreg:$0x0] =	wrdreg $0x60  }
0xaf: {  	[dreg:$0x2] =	wrdreg s2  }
0xb0: {  	[dreg:$0x3] =	wrdreg s19  }
0xb1: {  	[dreg:$0x4] =	wrdreg $0x9  }
0xb2: {  	_ =	task.clear_ibuf [dreg:s8], $0x5FFFF;
	_ =	strace $0x90000046  }
0xb3: {  	s29 =	simm.s32 $0x9;
	_ =	strace $0x80000048  }
0xb4: {  	_ =	swait.ge [sflag:s29], $0x1  }
0xb5: {  	[sflag:s29] =	ssyncadd.s32 $0xFFFFFFFF  }
0xb6: {  	_ =	strace $0x90000048  }
0xb7: {  	_ =	sfence  }
0xb8: {  	s30 =	sld [smem:$0x0];
	_ =	sdelay $0x2  }
0xb9: {  	s31 =	sshll.u32 s1, $0xD;
	s1 =	sshrl.u32 s1, $0x2  }
0xba: {  	s3 =	sand.u32 $0x4000, s31;
	s1 =	sadd.s32 s1, s30  }
0xbb: {  	s0 =	sor.u32 s3, s0;
	s1 =	sshll.u32 s1, $0x11  }
0xbc: {  	s0 =	sor.u32 s1, s0  }
0xbd: {  	s0 =	sadd.s32 $0x8F2B, s0  }
0xbe: {  	[sflag:s0] =	ssyncadd.remote.s32 $0x1  }
0xbf: {  	_ =	sfence.sel $0xFFFF  }
0xc0: {  	[dreg:$0x0] =	wrdreg $0xFFFFFFFF;
	(pc) =	sbr.abs _section_cstart, $3  }
0xc1: {  	[dreg:$0x1] =	wrdreg $0xFFFFFFFF  }
0xc2: {  	_ =	task.clear_ibuf [dreg:s8], $0x2FFFF;
	_ =	strace $0x9FFFFFFF  }
0xc3: {  	(tm) =	ssettm $0x7FFFFFFF  }
tec
execute0_lowered:
.L_overlay_start_1:
0x0: {  	(tag) =	ssettag $0x1  }
0x1: {  	s0 =	rddreg [dreg:$0x0]  }
0x2: {  	s1 =	rddreg [dreg:$0x1]  }
0x3: {  	s2 =	srdreg.scid;
	s4 =	stileid.u32;
	s28 =	simm.s32 $0x4000  }
0x4: {  	s25 =	simm.s32 $0x8000;
	s23 =	simm.s32 $0xC000;
	s21 =	simm.s32 $0x10000  }
0x5: {  	s19 =	simm.s32 $0x14000;
	s31 =	simm.s32 $0x2;
	s30 =	simm.s32 $0x3  }
0x6: {  	s29 =	simm.s32 $0x4;
	s26 =	simm.s32 $0x5;
	s24 =	simm.s32 $0x6  }
0x7: {  	s22 =	simm.s32 $0x7;
	p0 =	por $0x0, $0x0;
	s3 =	sand.u32 $0x1, s2  }
0x8: {  	s2 =	simm.s32 $0x0;
	s4 =	sshll.u32 s4, $0xF;
	s5 =	sshll.u32 s3, $0xE  }
0x9: {  	[smem:$0x7FF] =	sst s2;
	s3 =	ssub.s32 $0x2, s3;
	s4 =	sor.u32 s5, s4  }
0xa: {  	_ =	strace $0x80000047;
	s5 =	sadd.s32 s0, s4;
	s6 =	sor.u32 $0x800, s4  }
0xb: {  	s7 =	sor.u32 $0x1000, s4;
	s8 =	sor.u32 $0x1800, s4;
	s9 =	sor.u32 $0x2000, s4  }
0xc: {  	s16 =	sadd.s32 s1, s4;
	[dreg:$0x3] =	wrdreg s5;
	s10 =	sadd.s32 s0, s6  }
0xd: {  	s11 =	sadd.s32 s0, s7;
	s12 =	sadd.s32 s0, s8;
	[dreg:$0xa] =	wrdreg s16  }
0xe: {  	s13 =	sadd.s32 s0, s9;
	s20 =	sadd.s32 s1, s6;
	[dreg:$0x4] =	wrdreg s10  }
0xf: {  	s18 =	sadd.s32 s1, s7;
	s16 =	simm.s32 $0x18000;
	[dreg:$0x5] =	wrdreg s11  }
0x10: {  	s7 =	simm.s32 $0xE;
	[dreg:$0x6] =	wrdreg s12;
	s10 =	sor.u32 $0x2800, s4  }
0x11: {  	[dreg:$0x7] =	wrdreg s13;
	s11 =	sor.u32 $0x3000, s4;
	s12 =	sshrl.u32 s3, $0x1  }
0x12: {  	s4 =	sor.u32 $0x3800, s4;
	s13 =	simm.s32 $0xB;
	s3 =	ssub.s32 s3, s12  }
0x13: {  	s14 =	sadd.s32 s0, s10;
	s15 =	sadd.s32 s0, s11;
	s17 =	smax.u32 s3, $0x1  }
0x14: {  	s12 =	sadd.s32 s1, s9;
	s6 =	sadd.s32 s1, s11;
	p1 =	sne.s32 s17, $0x1  }
.Ltmp0:
0x15: {  	s5 =	sadd.s32 s0, s4;
	s4 =	sadd.s32 s1, s4;
	(pc) =	sbr.rel @!p1 .LBB2_3-.Ltmp0, $4  }
0x16: {  	s11 =	simm.s32 $0xC;
	s9 =	simm.s32 $0xD;
	[dreg:$0x8] =	wrdreg s14  }
0x17: {  	[dreg:$0x9] =	wrdreg s15;
	s14 =	sadd.s32 s1, s8;
	s8 =	sadd.s32 s1, s10  }
0x18: {  	s10 =	simm.s32 $0x1;
	s3 =	simm.s32 $0x8;
	s15 =	simm.s32 $0xA  }
0x19: {  	s1 =	rddreg [dreg:$0x3];
	s0 =	sadd.s32 $0xFFFFFFFF, s17;
	s17 =	simm.s32 $0x9  }
0x1a: {  	[dreg:$0xb] =	wrdreg s0  }
0x1b: {  	[tilespmem:s2], [sflag:$0x1] =	stream.linear.gather [hbm4b:s1+s2], $0x4000, $0x38;
	[tilespmem:$0x1C000] =	vst v63  }
0x1c: {  	s0 =	rddreg [dreg:$0x4]  }
0x1d: {  	[tilespmem:s28], [sflag:$0x2] =	stream.linear.gather [hbm4b:s0+s2], $0x4000, $0x38;
	[tilespmem:$0x1C000] =	vst v63  }
0x1e: {  	s1 =	rddreg [dreg:$0x5]  }
0x1f: {  	[tilespmem:s25], [sflag:$0x3] =	stream.linear.gather [hbm4b:s1+s2], $0x4000, $0x38;
	[tilespmem:$0x1C000] =	vst v63  }
0x20: {  	s0 =	rddreg [dreg:$0x6]  }
0x21: {  	[tilespmem:s23], [sflag:$0x4] =	stream.linear.gather [hbm4b:s0+s2], $0x4000, $0x38;
	[tilespmem:$0x1C000] =	vst v63  }
0x22: {  	s1 =	rddreg [dreg:$0x7]  }
0x23: {  	[tilespmem:s21], [sflag:$0x5] =	stream.linear.gather [hbm4b:s1+s2], $0x4000, $0x38;
	[tilespmem:$0x1C000] =	vst v63  }
0x24: {  	s0 =	rddreg [dreg:$0x8]  }
0x25: {  	[tilespmem:s19], [sflag:$0x6] =	stream.linear.gather [hbm4b:s0+s2], $0x4000, $0x38;
	[tilespmem:$0x1C000] =	vst v63  }
0x26: {  	s1 =	rddreg [dreg:$0x9]  }
0x27: {  	[tilespmem:s16], [sflag:$0x7] =	stream.linear.gather [hbm4b:s1+s2], $0x4000, $0x38;
	[tilespmem:$0x1C000] =	vst v63  }
0x28: {  	_ =	swait.ge [sflag:s10], $0x4000  }
0x29: {  	[sflag:s10] =	ssyncset.done $0x0  }
0x2a: {  	s1 =	rddreg [dreg:$0xa];
	[sflag:s10] =	ssyncadd.s32 $0xFFFFC000  }
0x2b: {  	[hbm4b:s1+s2] =	stream.linear.scatter [tilespmem:s2], [sflag:$0x8], $0x4000, $0x38;
	[tilespmem:$0x1C000] =	vst v63  }
0x2c: {  	_ =	swait.ge [sflag:s31], $0x4000  }
0x2d: {  	[sflag:s31] =	ssyncset.done $0x0  }
0x2e: {  	[sflag:s31] =	ssyncadd.s32 $0xFFFFC000  }
0x2f: {  	[hbm4b:s20+s2] =	stream.linear.scatter [tilespmem:s28], [sflag:$0x9], $0x4000, $0x38;
	[tilespmem:$0x1C000] =	vst v63  }
0x30: {  	_ =	swait.ge [sflag:s30], $0x4000  }
0x31: {  	[sflag:s30] =	ssyncset.done $0x0  }
0x32: {  	[sflag:s30] =	ssyncadd.s32 $0xFFFFC000  }
0x33: {  	[hbm4b:s18+s2] =	stream.linear.scatter [tilespmem:s25], [sflag:$0xA], $0x4000, $0x38;
	[tilespmem:$0x1C000] =	vst v63  }
0x34: {  	_ =	swait.ge [sflag:s29], $0x4000  }
0x35: {  	[sflag:s29] =	ssyncset.done $0x0  }
0x36: {  	[sflag:s29] =	ssyncadd.s32 $0xFFFFC000  }
0x37: {  	[hbm4b:s14+s2] =	stream.linear.scatter [tilespmem:s23], [sflag:$0xB], $0x4000, $0x38;
	[tilespmem:$0x1C000] =	vst v63  }
0x38: {  	_ =	swait.ge [sflag:s26], $0x4000  }
0x39: {  	[sflag:s26] =	ssyncset.done $0x0  }
0x3a: {  	[sflag:s26] =	ssyncadd.s32 $0xFFFFC000  }
0x3b: {  	[hbm4b:s12+s2] =	stream.linear.scatter [tilespmem:s21], [sflag:$0xC], $0x4000, $0x38;
	[tilespmem:$0x1C000] =	vst v63  }
0x3c: {  	_ =	swait.ge [sflag:s24], $0x4000  }
0x3d: {  	[sflag:s24] =	ssyncset.done $0x0  }
0x3e: {  	[sflag:s24] =	ssyncadd.s32 $0xFFFFC000  }
0x3f: {  	[hbm4b:s8+s2] =	stream.linear.scatter [tilespmem:s19], [sflag:$0xD], $0x4000, $0x38;
	[tilespmem:$0x1C000] =	vst v63  }
0x40: {  	_ =	swait.ge [sflag:s22], $0x4000  }
0x41: {  	[sflag:s22] =	ssyncset.done $0x0  }
0x42: {  	[sflag:s22] =	ssyncadd.s32 $0xFFFFC000  }
0x43: {  	[hbm4b:s6+s2] =	stream.linear.scatter [tilespmem:s16], [sflag:$0xE], $0x4000, $0x38;
	[tilespmem:$0x1C000] =	vst v63  }
0x44: {  	_ =	swait.ge [sflag:s3], $0x4000  }
0x45: {  	[sflag:s3] =	ssyncset.done $0x0  }
0x46: {  	[sflag:s3] =	ssyncadd.s32 $0xFFFFC000  }
0x47: {  	[tilespmem:s2], [sflag:$0x1] =	stream.linear.gather [hbm4b:s5+s2], $0x4000, $0x38;
	[tilespmem:$0x1C000] =	vst v63  }
0x48: {  	_ =	swait.ge [sflag:s10], $0x4000  }
0x49: {  	[sflag:s10] =	ssyncset.done $0x0  }
0x4a: {  	[sflag:s10] =	ssyncadd.s32 $0xFFFFC000  }
0x4b: {  	[hbm4b:s4+s2] =	stream.linear.scatter [tilespmem:s2], [sflag:$0x8], $0x4000, $0x38;
	[tilespmem:$0x1C000] =	vst v63  }
0x4c: {  	_ =	swait.ge [sflag:s17], $0x4000  }
0x4d: {  	[sflag:s17] =	ssyncset.done $0x0  }
0x4e: {  	[sflag:s17] =	ssyncadd.s32 $0xFFFFC000  }
0x4f: {  	_ =	swait.ge [sflag:s15], $0x4000  }
0x50: {  	[sflag:s15] =	ssyncset.done $0x0  }
0x51: {  	[sflag:s15] =	ssyncadd.s32 $0xFFFFC000  }
0x52: {  	_ =	swait.ge [sflag:s13], $0x4000  }
0x53: {  	[sflag:s13] =	ssyncset.done $0x0  }
0x54: {  	[sflag:s13] =	ssyncadd.s32 $0xFFFFC000  }
0x55: {  	_ =	swait.ge [sflag:s11], $0x4000  }
0x56: {  	[sflag:s11] =	ssyncset.done $0x0  }
0x57: {  	[sflag:s11] =	ssyncadd.s32 $0xFFFFC000  }
0x58: {  	_ =	swait.ge [sflag:s9], $0x4000  }
0x59: {  	[sflag:s9] =	ssyncset.done $0x0  }
0x5a: {  	[sflag:s9] =	ssyncadd.s32 $0xFFFFC000  }
0x5b: {  	_ =	swait.ge [sflag:s7], $0x4000  }
0x5c: {  	s1 =	rddreg [dreg:$0xb]  }
0x5d: {  	p1 =	sne.s32 s1, $0x1  }
.Ltmp1:
0x5e: {  	_ = 	snop;
	(pc) =	sbr.rel @!p1 .LBB2_3-.Ltmp1, $4  }
0x5f: {  	[sflag:s7] =	ssyncset.done $0x0  }
0x60: {  	[sflag:s7] =	ssyncadd.s32 $0xFFFFC000  }
0x61: {  	p0 =	por $0x1, $0x1;
	_ =	swait.ge [sflag:s3], $0x4000  }
0x62: {  	s0 =	sadd.s32 $0xFFFFFFFF, s1;
	s1 =	rddreg [dreg:$0x3];
	[sflag:s3] =	ssyncset.done $0x0  }
.LBB2_2:
0x63: {  	[sflag:s3] =	ssyncadd.s32 $0xFFFFC000;
	s16 =	smov.u32 s14  }
0x64: {  	s14 =	smov.u32 s12;
	s12 =	smov.u32 s8;
	s8 =	smov.u32 s6  }
0x65: {  	[tilespmem:s2], [sflag:$0x1] =	stream.linear.gather [hbm4b:s1+s2], $0x4000, $0x38;
	[tilespmem:$0x1C000] =	vst v63  }
0x66: {  	s6 =	smov.u32 s5;
	s5 =	smov.u32 s4;
	s4 =	rddreg [dreg:$0x4]  }
0x67: {  	[tilespmem:s28], [sflag:$0x2] =	stream.linear.gather [hbm4b:s4+s2], $0x4000, $0x38;
	[tilespmem:$0x1C000] =	vst v63  }
0x68: {  	s1 =	rddreg [dreg:$0x5]  }
0x69: {  	[tilespmem:s25], [sflag:$0x3] =	stream.linear.gather [hbm4b:s1+s2], $0x4000, $0x38;
	[tilespmem:$0x1C000] =	vst v63  }
0x6a: {  	s4 =	rddreg [dreg:$0x6]  }
0x6b: {  	[tilespmem:s23], [sflag:$0x4] =	stream.linear.gather [hbm4b:s4+s2], $0x4000, $0x38;
	[tilespmem:$0x1C000] =	vst v63  }
0x6c: {  	s1 =	rddreg [dreg:$0x7]  }
0x6d: {  	[tilespmem:s21], [sflag:$0x5] =	stream.linear.gather [hbm4b:s1+s2], $0x4000, $0x38;
	[tilespmem:$0x1C000] =	vst v63  }
0x6e: {  	s4 =	rddreg [dreg:$0x8]  }
0x6f: {  	[tilespmem:s19], [sflag:$0x6] =	stream.linear.gather [hbm4b:s4+s2], $0x4000, $0x38;
	[tilespmem:$0x1C000] =	vst v63  }
0x70: {  	s1 =	rddreg [dreg:$0x9];
	s4 =	smov.u32 s5  }
0x71: {  	s5 =	smov.u32 s6;
	s6 =	smov.u32 s8;
	s8 =	smov.u32 s12  }
0x72: {  	s12 =	smov.u32 s14;
	s14 =	smov.u32 s16;
	s16 =	simm.s32 $0x18000  }
0x73: {  	[tilespmem:s16], [sflag:$0x7] =	stream.linear.gather [hbm4b:s1+s2], $0x4000, $0x38;
	[tilespmem:$0x1C000] =	vst v63  }
0x74: {  	_ =	swait.ge [sflag:s10], $0x4000  }
0x75: {  	[sflag:s10] =	ssyncset.done $0x0  }
0x76: {  	s1 =	rddreg [dreg:$0xa];
	[sflag:s10] =	ssyncadd.s32 $0xFFFFC000  }
0x77: {  	[hbm4b:s1+s2] =	stream.linear.scatter [tilespmem:s2], [sflag:$0x8], $0x4000, $0x38;
	[tilespmem:$0x1C000] =	vst v63  }
0x78: {  	_ =	swait.ge [sflag:s31], $0x4000  }
0x79: {  	[sflag:s31] =	ssyncset.done $0x0  }
0x7a: {  	[sflag:s31] =	ssyncadd.s32 $0xFFFFC000  }
0x7b: {  	[hbm4b:s20+s2] =	stream.linear.scatter [tilespmem:s28], [sflag:$0x9], $0x4000, $0x38;
	[tilespmem:$0x1C000] =	vst v63  }
0x7c: {  	_ =	swait.ge [sflag:s30], $0x4000  }
0x7d: {  	[sflag:s30] =	ssyncset.done $0x0  }
0x7e: {  	[sflag:s30] =	ssyncadd.s32 $0xFFFFC000  }
0x7f: {  	[hbm4b:s18+s2] =	stream.linear.scatter [tilespmem:s25], [sflag:$0xA], $0x4000, $0x38;
	[tilespmem:$0x1C000] =	vst v63  }
0x80: {  	_ =	swait.ge [sflag:s29], $0x4000  }
0x81: {  	[sflag:s29] =	ssyncset.done $0x0  }
0x82: {  	[sflag:s29] =	ssyncadd.s32 $0xFFFFC000  }
0x83: {  	[hbm4b:s14+s2] =	stream.linear.scatter [tilespmem:s23], [sflag:$0xB], $0x4000, $0x38;
	[tilespmem:$0x1C000] =	vst v63  }
0x84: {  	_ =	swait.ge [sflag:s26], $0x4000  }
0x85: {  	[sflag:s26] =	ssyncset.done $0x0  }
0x86: {  	[sflag:s26] =	ssyncadd.s32 $0xFFFFC000  }
0x87: {  	[hbm4b:s12+s2] =	stream.linear.scatter [tilespmem:s21], [sflag:$0xC], $0x4000, $0x38;
	[tilespmem:$0x1C000] =	vst v63  }
0x88: {  	_ =	swait.ge [sflag:s24], $0x4000  }
0x89: {  	[sflag:s24] =	ssyncset.done $0x0  }
0x8a: {  	[sflag:s24] =	ssyncadd.s32 $0xFFFFC000  }
0x8b: {  	[hbm4b:s8+s2] =	stream.linear.scatter [tilespmem:s19], [sflag:$0xD], $0x4000, $0x38;
	[tilespmem:$0x1C000] =	vst v63  }
0x8c: {  	_ =	swait.ge [sflag:s22], $0x4000  }
0x8d: {  	[sflag:s22] =	ssyncset.done $0x0  }
0x8e: {  	[sflag:s22] =	ssyncadd.s32 $0xFFFFC000  }
0x8f: {  	[hbm4b:s6+s2] =	stream.linear.scatter [tilespmem:s16], [sflag:$0xE], $0x4000, $0x38;
	[tilespmem:$0x1C000] =	vst v63  }
0x90: {  	_ =	swait.ge [sflag:s3], $0x4000  }
0x91: {  	[sflag:s3] =	ssyncset.done $0x0  }
0x92: {  	[sflag:s3] =	ssyncadd.s32 $0xFFFFC000  }
0x93: {  	[tilespmem:s2], [sflag:$0x1] =	stream.linear.gather [hbm4b:s5+s2], $0x4000, $0x38;
	[tilespmem:$0x1C000] =	vst v63  }
0x94: {  	_ =	swait.ge [sflag:s10], $0x4000  }
0x95: {  	[sflag:s10] =	ssyncset.done $0x0  }
0x96: {  	[sflag:s10] =	ssyncadd.s32 $0xFFFFC000  }
0x97: {  	[hbm4b:s4+s2] =	stream.linear.scatter [tilespmem:s2], [sflag:$0x8], $0x4000, $0x38;
	[tilespmem:$0x1C000] =	vst v63  }
0x98: {  	_ =	swait.ge [sflag:s17], $0x4000  }
0x99: {  	[sflag:s17] =	ssyncset.done $0x0  }
0x9a: {  	[sflag:s17] =	ssyncadd.s32 $0xFFFFC000  }
0x9b: {  	_ =	swait.ge [sflag:s15], $0x4000  }
0x9c: {  	[sflag:s15] =	ssyncset.done $0x0  }
0x9d: {  	[sflag:s15] =	ssyncadd.s32 $0xFFFFC000  }
0x9e: {  	_ =	swait.ge [sflag:s13], $0x4000  }
0x9f: {  	[sflag:s13] =	ssyncset.done $0x0  }
0xa0: {  	[sflag:s13] =	ssyncadd.s32 $0xFFFFC000  }
0xa1: {  	_ =	swait.ge [sflag:s11], $0x4000  }
0xa2: {  	[sflag:s11] =	ssyncset.done $0x0  }
0xa3: {  	[sflag:s11] =	ssyncadd.s32 $0xFFFFC000  }
0xa4: {  	_ =	swait.ge [sflag:s9], $0x4000  }
0xa5: {  	[sflag:s9] =	ssyncset.done $0x0  }
0xa6: {  	p1 =	sne.s32 s0, $0x1;
	[sflag:s9] =	ssyncadd.s32 $0xFFFFC000  }
.Ltmp2:
0xa7: {  	_ =	swait.ge [sflag:s7], $0x4000;
	(pc) =	sbr.rel @p1 .LBB2_2-.Ltmp2, $4  }
0xa8: {  	[sflag:s7] =	ssyncset.done $0x0  }
0xa9: {  	[sflag:s7] =	ssyncadd.s32 $0xFFFFC000  }
0xaa: {  	_ =	swait.ge [sflag:s3], $0x4000  }
0xab: {  	s0 =	sadd.s32 $0xFFFFFFFF, s0;
	s1 =	rddreg [dreg:$0x3];
	[sflag:s3] =	ssyncset.done $0x0  }
.LBB2_3:
0xac: {  	[sflag:s3] =	ssyncadd.s32 @p0 $0xFFFFC000  }
0xad: {  	[tilespmem:s2], [sflag:$0x1] =	stream.linear.gather [hbm4b:s1+s2], $0x4000, $0x38;
	[tilespmem:$0x1C000] =	vst v63  }
0xae: {  	s0 =	rddreg [dreg:$0x4]  }
0xaf: {  	[tilespmem:s28], [sflag:$0x2] =	stream.linear.gather [hbm4b:s0+s2], $0x4000, $0x38;
	[tilespmem:$0x1C000] =	vst v63  }
0xb0: {  	s1 =	rddreg [dreg:$0x5]  }
0xb1: {  	[tilespmem:s25], [sflag:$0x3] =	stream.linear.gather [hbm4b:s1+s2], $0x4000, $0x38;
	[tilespmem:$0x1C000] =	vst v63  }
0xb2: {  	s0 =	rddreg [dreg:$0x6]  }
0xb3: {  	[tilespmem:s23], [sflag:$0x4] =	stream.linear.gather [hbm4b:s0+s2], $0x4000, $0x38;
	[tilespmem:$0x1C000] =	vst v63  }
0xb4: {  	s1 =	rddreg [dreg:$0x7]  }
0xb5: {  	[tilespmem:s21], [sflag:$0x5] =	stream.linear.gather [hbm4b:s1+s2], $0x4000, $0x38;
	[tilespmem:$0x1C000] =	vst v63  }
0xb6: {  	s0 =	rddreg [dreg:$0x8]  }
0xb7: {  	[tilespmem:s19], [sflag:$0x6] =	stream.linear.gather [hbm4b:s0+s2], $0x4000, $0x38;
	[tilespmem:$0x1C000] =	vst v63  }
0xb8: {  	s1 =	rddreg [dreg:$0x9]  }
0xb9: {  	[tilespmem:s16], [sflag:$0x7] =	stream.linear.gather [hbm4b:s1+s2], $0x4000, $0x38;
	[tilespmem:$0x1C000] =	vst v63  }
0xba: {  	_ =	swait.ge [sflag:s10], $0x4000  }
0xbb: {  	[sflag:s10] =	ssyncset.done $0x0  }
0xbc: {  	s1 =	rddreg [dreg:$0xa];
	[sflag:s10] =	ssyncadd.s32 $0xFFFFC000  }
0xbd: {  	[hbm4b:s1+s2] =	stream.linear.scatter [tilespmem:s2], [sflag:$0x8], $0x4000, $0x38;
	[tilespmem:$0x1C000] =	vst v63  }
0xbe: {  	_ =	swait.ge [sflag:s31], $0x4000  }
0xbf: {  	[sflag:s31] =	ssyncset.done $0x0  }
0xc0: {  	[sflag:s31] =	ssyncadd.s32 $0xFFFFC000  }
0xc1: {  	[hbm4b:s20+s2] =	stream.linear.scatter [tilespmem:s28], [sflag:$0x9], $0x4000, $0x38;
	[tilespmem:$0x1C000] =	vst v63  }
0xc2: {  	_ =	swait.ge [sflag:s30], $0x4000  }
0xc3: {  	[sflag:s30] =	ssyncset.done $0x0  }
0xc4: {  	[sflag:s30] =	ssyncadd.s32 $0xFFFFC000  }
0xc5: {  	[hbm4b:s18+s2] =	stream.linear.scatter [tilespmem:s25], [sflag:$0xA], $0x4000, $0x38;
	[tilespmem:$0x1C000] =	vst v63  }
0xc6: {  	_ =	swait.ge [sflag:s29], $0x4000  }
0xc7: {  	[sflag:s29] =	ssyncset.done $0x0  }
0xc8: {  	[sflag:s29] =	ssyncadd.s32 $0xFFFFC000  }
0xc9: {  	[hbm4b:s14+s2] =	stream.linear.scatter [tilespmem:s23], [sflag:$0xB], $0x4000, $0x38;
	[tilespmem:$0x1C000] =	vst v63  }
0xca: {  	_ =	swait.ge [sflag:s26], $0x4000  }
0xcb: {  	[sflag:s26] =	ssyncset.done $0x0  }
0xcc: {  	[sflag:s26] =	ssyncadd.s32 $0xFFFFC000  }
0xcd: {  	[hbm4b:s12+s2] =	stream.linear.scatter [tilespmem:s21], [sflag:$0xC], $0x4000, $0x38;
	[tilespmem:$0x1C000] =	vst v63  }
0xce: {  	_ =	swait.ge [sflag:s24], $0x4000  }
0xcf: {  	[sflag:s24] =	ssyncset.done $0x0  }
0xd0: {  	[sflag:s24] =	ssyncadd.s32 $0xFFFFC000  }
0xd1: {  	[hbm4b:s8+s2] =	stream.linear.scatter [tilespmem:s19], [sflag:$0xD], $0x4000, $0x38;
	[tilespmem:$0x1C000] =	vst v63  }
0xd2: {  	_ =	swait.ge [sflag:s22], $0x4000  }
0xd3: {  	[sflag:s22] =	ssyncset.done $0x0  }
0xd4: {  	[sflag:s22] =	ssyncadd.s32 $0xFFFFC000  }
0xd5: {  	[hbm4b:s6+s2] =	stream.linear.scatter [tilespmem:s16], [sflag:$0xE], $0x4000, $0x38;
	[tilespmem:$0x1C000] =	vst v63  }
0xd6: {  	_ =	swait.ge [sflag:s3], $0x4000  }
0xd7: {  	[sflag:s3] =	ssyncset.done $0x0  }
0xd8: {  	[sflag:s3] =	ssyncadd.s32 $0xFFFFC000  }
0xd9: {  	[tilespmem:s2], [sflag:$0x1] =	stream.linear.gather [hbm4b:s5+s2], $0x4000, $0x38;
	[tilespmem:$0x1C000] =	vst v63  }
0xda: {  	_ =	swait.ge [sflag:s10], $0x4000  }
0xdb: {  	[sflag:s10] =	ssyncset.done $0x0  }
0xdc: {  	[sflag:s10] =	ssyncadd.s32 $0xFFFFC000  }
0xdd: {  	[hbm4b:s4+s2] =	stream.linear.scatter [tilespmem:s2], [sflag:$0x8], $0x4000, $0x38;
	[tilespmem:$0x1C000] =	vst v63  }
0xde: {  	_ =	swait.ge [sflag:s17], $0x4000  }
0xdf: {  	[sflag:s17] =	ssyncset.done $0x0  }
0xe0: {  	[sflag:s17] =	ssyncadd.s32 $0xFFFFC000  }
0xe1: {  	_ =	swait.ge [sflag:s15], $0x4000  }
0xe2: {  	[sflag:s15] =	ssyncset.done $0x0  }
0xe3: {  	[sflag:s15] =	ssyncadd.s32 $0xFFFFC000  }
0xe4: {  	_ =	swait.ge [sflag:s13], $0x4000  }
0xe5: {  	[sflag:s13] =	ssyncset.done $0x0  }
0xe6: {  	[sflag:s13] =	ssyncadd.s32 $0xFFFFC000  }
0xe7: {  	_ =	swait.ge [sflag:s11], $0x4000  }
0xe8: {  	[sflag:s11] =	ssyncset.done $0x0  }
0xe9: {  	[sflag:s11] =	ssyncadd.s32 $0xFFFFC000  }
0xea: {  	_ =	swait.ge [sflag:s9], $0x4000  }
0xeb: {  	[sflag:s9] =	ssyncset.done $0x0  }
0xec: {  	[sflag:s9] =	ssyncadd.s32 $0xFFFFC000  }
0xed: {  	_ =	swait.ge [sflag:s7], $0x4000  }
0xee: {  	[sflag:s7] =	ssyncset.done $0x0  }
0xef: {  	[sflag:s7] =	ssyncadd.s32 $0xFFFFC000  }
0xf0: {  	_ =	swait.ge [sflag:s3], $0x4000  }
0xf1: {  	[sflag:s3] =	ssyncset.done $0x0  }
0xf2: {  	[sflag:s3] =	ssyncadd.s32 $0xFFFFC000  }
0xf3: {  	_ =	sfence.sel $0x180000  }
0xf4: {  	[bflag:$0x0] =	sbarrier.arrive $0xFFFF  }
0xf5: {  	_ =	strace $0x90000047  }
0xf6: {  	s31 =	stileid.u32;
	[bflag:$0x2] =	sbarrier.arrive $0xFFFF  }
0xf7: {  	p0 =	sne.s32 s31, $0x0;
	s0 =	rddreg [dreg:$0x2]  }
0xf8: {  	s0 =	sadd.s32 @!p0 $0x100000, s0  }
0xf9: {  	[sflag:s0] =	ssyncadd.tile.s32 @!p0 $0x1;
	_ =	shalt  }
.Lfunc_end2:
_tile_overlayer_lowered:
.L_overlay_start_2:
0xfa: {  	(tag) =	ssettag $0x2  }
0xfb: {  	s0 =	rddreg [dreg:$0x0];
	s2 =	stileid.u32  }
0xfc: {  	s1 =	rddreg [dreg:$0x1];
	p0 =	sne.s32 s2, $0x0  }
0xfd: {  	s3 =	rddreg [dreg:$0x2];
	[bflag:$0x3] =	sbarrier.arrive $0xFFFF;
	s2 =	simm.s32 @!p0 $0x1C0F  }
0xfe: {  	[timem:s3], [sflag:s2] =	dma.local @!p0 [hbm:s0], s1  }
0xff: {  	s0 =	simm.s32 @!p0 $0xF  }
0x100: {  	_ =	swait.ge @!p0 [sflag:s0], s1  }
0x101: {  	s1 =	ssub.s32 @!p0 $0x0, s1;
	[sflag:s0] =	ssyncset.done @!p0 $0x0  }
0x102: {  	[sflag:s0] =	ssyncadd.s32 @!p0 s1  }
0x103: {  	[bflag:$0x3] =	sbarrier.arrive $0xFFFF  }
0x104: {  	_ =	shalt  }

</sc_bundles>
